<compile_context>
chip_gen: v7x
topology: tpu7x:2x2x1
jax: 0.10.2.dev20260603
libtpu: 0.0.44.dev20260713+nightly
codegen_flags: <defaults>
</compile_context>

<pallas_src>
import jax
import jax.numpy as jnp
from jax import lax
from jax.experimental import pallas as pl
from jax.experimental.pallas import tpu as pltpu
from jax.experimental.pallas import tpu_sc as plsc

_NW = 32
_NWIN = 4
_BT = 512


def _sc_gather(tab_flat, idx_flat, e):
    n = idx_flat.shape[0]
    per_w = n // _NW
    win = per_w // _NWIN
    mesh = plsc.VectorSubcoreMesh(core_axis_name="core", subcore_axis_name="subcore")

    @pl.kernel(
        out_type=jax.ShapeDtypeStruct((n, e), jnp.float32),
        mesh=mesh,
        scratch_types=[
            pltpu.VMEM((win,), jnp.int32),
            pltpu.VMEM((win, e), jnp.float32),
            pltpu.SemaphoreType.DMA,
        ],
        compiler_params=pltpu.CompilerParams(use_tc_tiling_on_sc=False),
    )
    def k(tab_hbm, ci_hbm, o_hbm, idx_v, rows_v, sem):
        wid = lax.axis_index("subcore") * 2 + lax.axis_index("core")
        base = wid * per_w

        @pl.loop(0, _NWIN)
        def _(w):
            off = base + w * win
            pltpu.sync_copy(ci_hbm.at[pl.ds(off, win)], idx_v)
            pltpu.async_copy(tab_hbm.at[idx_v], rows_v, sem).wait()
            pltpu.sync_copy(rows_v, o_hbm.at[pl.ds(off, win)])

    return k(tab_flat, idx_flat)


def _mlp_body(num_ref, gath_ref, wW1n_ref, wW1e_ref, wb1_ref, wW2_ref,
              dW1n_ref, dW1e_ref, db1_ref, dW2_ref, db2_ref, dW3_ref,
              db3_ref, dW4_ref, cbias_ref, out_ref):
    fn = num_ref[...]
    fe = gath_ref[...].astype(jnp.bfloat16)
    h = jnp.dot(fn, wW1n_ref[...], preferred_element_type=jnp.float32)
    h = h + jnp.dot(fe, wW1e_ref[...], preferred_element_type=jnp.float32)
    h = jnp.maximum(h + wb1_ref[...], 0.0)
    wide = jnp.dot(h.astype(jnp.bfloat16), wW2_ref[...],
                   preferred_element_type=jnp.float32)
    d = jnp.dot(fn, dW1n_ref[...], preferred_element_type=jnp.float32)
    d = d + jnp.dot(fe, dW1e_ref[...], preferred_element_type=jnp.float32)
    d = jnp.maximum(d + db1_ref[...], 0.0)
    d = jnp.maximum(
        jnp.dot(d, dW2_ref[...], preferred_element_type=jnp.float32) + db2_ref[...], 0.0)
    d = jnp.maximum(
        jnp.dot(d, dW3_ref[...], preferred_element_type=jnp.float32) + db3_ref[...], 0.0)
    deep = jnp.dot(d, dW4_ref[...], preferred_element_type=jnp.float32)
    out_ref[...] = wide + deep + cbias_ref[...]


def _mlp(num, gath, wW1n, wW1e, wb1, wW2, dW1n, dW1e, db1, dW2, db2, dW3,
         db3, dW4, cbias):
    b = num.shape[0]
    grid = (b // _BT,)
    full = lambda shape: pl.BlockSpec(shape, lambda i: (0, 0))
    return pl.pallas_call(
        _mlp_body,
        grid=grid,
        in_specs=[
            pl.BlockSpec((_BT, num.shape[1]), lambda i: (i, 0)),
            pl.BlockSpec((_BT, gath.shape[1]), lambda i: (i, 0)),
            full(wW1n.shape), full(wW1e.shape), full(wb1.shape),
            full(wW2.shape), full(dW1n.shape), full(dW1e.shape),
            full(db1.shape), full(dW2.shape), full(db2.shape),
            full(dW3.shape), full(db3.shape), full(dW4.shape),
            full(cbias.shape),
        ],
        out_specs=pl.BlockSpec((_BT, 1), lambda i: (i, 0)),
        out_shape=jax.ShapeDtypeStruct((b, 1), jnp.float32),
    )(num, gath, wW1n, wW1e, wb1, wW2, dW1n, dW1e, db1, dW2, db2, dW3,
      db3, dW4, cbias)


def kernel(numerical_fields, categorical_fields, tables,
           wide_W1, wide_b1, wide_W2, wide_b2,
           deep_W1, deep_b1, deep_W2, deep_b2,
           deep_W3, deep_b3, deep_W4, deep_b4, bias):
    b, num = numerical_fields.shape
    cat, v, e = tables.shape
    offs = jnp.arange(cat, dtype=jnp.int32) * v
    idx_flat = (categorical_fields + offs[None, :]).reshape(b * cat)
    rows = _sc_gather(tables.reshape(cat * v, e), idx_flat, e)
    gath = rows.reshape(b, cat * e)

    cbias = (wide_b2 + deep_b4 + bias).reshape(1, 1)
    out = _mlp(
        numerical_fields, gath,
        wide_W1[:num], wide_W1[num:].astype(jnp.bfloat16),
        wide_b1.reshape(1, -1), wide_W2.astype(jnp.bfloat16),
        deep_W1[:num], deep_W1[num:].astype(jnp.bfloat16),
        deep_b1.reshape(1, -1), deep_W2,
        deep_b2.reshape(1, -1), deep_W3, deep_b3.reshape(1, -1), deep_W4,
        cbias)
    return out

# --- scband reference (transcript-rebuilt; emitter-appended) ---
"""Pipeline reference for scband-wdsi-89919435309607 (READ-ONLY COPY).

The authoritative reference and input builder live on the scoring server;
editing this copy changes nothing except your own understanding.
"""

import jax, jax.numpy as jnp
import numpy as np

B = 16384
NUM = 13
CAT = 26
V = 100000
E = 32
F = NUM + CAT * E  # 845


def setup_inputs(seed: int = 0) -> dict:
    key = jax.random.key(seed)
    ks = jax.random.split(key, 24)
    inp = {}
    inp["numerical_fields"] = jax.random.normal(ks[0], (B, NUM), dtype=jnp.float32)
    inp["categorical_fields"] = jax.random.randint(ks[1], (B, CAT), 0, V, dtype=jnp.int32)
    # 26 embedding tables, all with V rows, stacked into one array [CAT, V, E]
    inp["tables"] = jax.random.normal(ks[2], (CAT, V, E), dtype=jnp.float32) * 0.01
    # Wide component: (F, 1000) -> (1000, 1)
    inp["wide_W1"] = jax.random.normal(ks[3], (F, 1000), dtype=jnp.float32) * 0.02
    inp["wide_b1"] = jnp.zeros((1000,), dtype=jnp.float32)
    inp["wide_W2"] = jax.random.normal(ks[4], (1000, 1), dtype=jnp.float32) * 0.02
    inp["wide_b2"] = jnp.zeros((1,), dtype=jnp.float32)
    # Deep component: (F,128)->(128,64)->(64,32)->(32,1)
    inp["deep_W1"] = jax.random.normal(ks[5], (F, 128), dtype=jnp.float32) * 0.02
    inp["deep_b1"] = jnp.zeros((128,), dtype=jnp.float32)
    inp["deep_W2"] = jax.random.normal(ks[6], (128, 64), dtype=jnp.float32) * 0.05
    inp["deep_b2"] = jnp.zeros((64,), dtype=jnp.float32)
    inp["deep_W3"] = jax.random.normal(ks[7], (64, 32), dtype=jnp.float32) * 0.05
    inp["deep_b3"] = jnp.zeros((32,), dtype=jnp.float32)
    inp["deep_W4"] = jax.random.normal(ks[8], (32, 1), dtype=jnp.float32) * 0.05
    inp["deep_b4"] = jnp.zeros((1,), dtype=jnp.float32)
    inp["bias"] = jnp.zeros((1,), dtype=jnp.float32)
    return inp


def reference(numerical_fields, categorical_fields, tables,
              wide_W1, wide_b1, wide_W2, wide_b2,
              deep_W1, deep_b1, deep_W2, deep_b2,
              deep_W3, deep_b3, deep_W4, deep_b4, bias):
    feats = [numerical_fields]
    for i in range(tables.shape[0]):
        feats.append(jnp.take(tables[i], categorical_fields[:, i], axis=0))
    features = jnp.concatenate(feats, axis=1)
    # Wide: Linear -> ReLU -> Linear
    wide = jnp.maximum(features @ wide_W1 + wide_b1, 0.0) @ wide_W2 + wide_b2
    # Deep: 3x (Linear->ReLU) -> Linear
    h = jnp.maximum(features @ deep_W1 + deep_b1, 0.0)
    h = jnp.maximum(h @ deep_W2 + deep_b2, 0.0)
    h = jnp.maximum(h @ deep_W3 + deep_b3, 0.0)
    deep = h @ deep_W4 + deep_b4
    return wide + deep + bias

if __name__ == "__main__":
    import jax
    _d = setup_inputs()
    print(jax.jit(kernel)(*tuple(_d.values())))

</pallas_src>

<mosaic_0001>
#map = affine_map<(d0, d1) -> (0, 0)>
#map1 = affine_map<(d0, d1) -> (0)>
module attributes {stable_mosaic.version = 14 : i64} {
  func.func @k(%arg0: i32, %arg1: i32, %arg2: memref<2600000x32xf32, #tpu.memory_space<hbm>>, %arg3: memref<425984xi32, #tpu.memory_space<hbm>>, %arg4: memref<425984x32xf32, #tpu.memory_space<hbm>>, %arg5: memref<3328xi32, #tpu.memory_space<vmem>>, %arg6: memref<3328x32xf32, #tpu.memory_space<vmem>>, %arg7: memref<!tpu.dma_semaphore, #tpu.memory_space<semaphore_mem>>) attributes {dimension_semantics = [#tpu.dimension_semantics<core_parallel>, #tpu.dimension_semantics<subcore_parallel>], iteration_bounds = array<i64: 2, 16>, scalar_prefetch = 0 : i64, scratch_operands = 3 : i64, tpu.core_type = #tpu.core_type<sc_vector_subcore>, window_params = [{transform_indices = #map}, {transform_indices = #map1}, {transform_indices = #map}]} {
    %mul3A = arith.constant 2 : i32
    %mul3A_0 = arith.muli %arg1, %mul3A : i32
    %add3A = arith.addi %mul3A_0, %arg0 : i32
    %mul3A_1 = arith.constant 13312 : i32
    %mul3A_2 = arith.muli %add3A, %mul3A_1 : i32
    %scan3A = arith.constant 0 : i32
    %scan3A_3 = arith.constant 4 : i32
    %scan3A_4 = arith.addi %scan3A, %scan3A_3 : i32
    %scan3A_5 = arith.constant 1 : i32
    scf.for %scan3A_7 = %scan3A to %scan3A_4 step %scan3A_5  : i32 {
      %mul3A_8 = arith.constant 1 : i32
      %mul3A_9 = arith.muli %scan3A_7, %mul3A_8 : i32
      %add3A_10 = arith.constant 0 : i32
      %add3A_11 = arith.addi %add3A_10, %mul3A_9 : i32
      %mul3A_12 = arith.constant 3328 : i32
      %mul3A_13 = arith.muli %add3A_11, %mul3A_12 : i32
      %add3A_14 = arith.addi %mul3A_2, %mul3A_13 : i32
      "tpu.region"() ({
        %run_scoped3A = tpu.sem_alloc : memref<!tpu.dma_semaphore, #tpu.memory_space<semaphore_mem>>
        %dma_start3A_19 = tpu.memref_slice %arg3[%add3A_14] : memref<425984xi32, #tpu.memory_space<hbm>> -> memref<3328xi32, #tpu.memory_space<hbm>>
        %dma_start3A_20 = tpu.memref_slice %arg3[%add3A_14] : memref<425984xi32, #tpu.memory_space<hbm>> -> memref<3328xi32, #tpu.memory_space<hbm>>
        tpu.enqueue_dma source(%dma_start3A_20 : memref<3328xi32, #tpu.memory_space<hbm>>) target(%arg5 : memref<3328xi32, #tpu.memory_space<vmem>>) target_semaphore(%run_scoped3A : memref<!tpu.dma_semaphore, #tpu.memory_space<semaphore_mem>>)
        %dma_wait3A_21 = tpu.memref_slice %arg3[%add3A_14] : memref<425984xi32, #tpu.memory_space<hbm>> -> memref<3328xi32, #tpu.memory_space<hbm>>
        %dma_wait3A_22 = tpu.memref_slice %arg3[%add3A_14] : memref<425984xi32, #tpu.memory_space<hbm>> -> memref<3328xi32, #tpu.memory_space<hbm>>
        tpu.wait_dma2 semaphore(%run_scoped3A : memref<!tpu.dma_semaphore, #tpu.memory_space<semaphore_mem>>) src(%dma_wait3A_22 : memref<3328xi32, #tpu.memory_space<hbm>>) dst(%arg5 : memref<3328xi32, #tpu.memory_space<vmem>>)
        tpu.yield
      }) : () -> ()
      %dma_start3A = arith.constant 0 : i32
      %dma_start3A_15 = arith.constant 0 : i32
      %dma_start3A_16 = tpu.memref_slice %arg2[%dma_start3A, %dma_start3A_15] : memref<2600000x32xf32, #tpu.memory_space<hbm>> -> memref<2600000x32xf32, #tpu.memory_space<hbm>>
      tpu.enqueue_indirect_dma source(%dma_start3A_16 : memref<2600000x32xf32, #tpu.memory_space<hbm>>) target(%arg6 : memref<3328x32xf32, #tpu.memory_space<vmem>>) offsets(%arg5 : memref<3328xi32, #tpu.memory_space<vmem>>) semaphore(%arg7 : memref<!tpu.dma_semaphore, #tpu.memory_space<semaphore_mem>>)
      %dma_wait3A = arith.constant 0 : i32
      %dma_wait3A_17 = arith.constant 0 : i32
      %dma_wait3A_18 = tpu.memref_slice %arg2[%dma_wait3A, %dma_wait3A_17] : memref<2600000x32xf32, #tpu.memory_space<hbm>> -> memref<2600000x32xf32, #tpu.memory_space<hbm>>
      tpu.wait_indirect_dma semaphore(%arg7 : memref<!tpu.dma_semaphore, #tpu.memory_space<semaphore_mem>>) src(%dma_wait3A_18 : memref<2600000x32xf32, #tpu.memory_space<hbm>>) dst(%arg6 : memref<3328x32xf32, #tpu.memory_space<vmem>>)
      "tpu.region"() ({
        %run_scoped3A = tpu.sem_alloc : memref<!tpu.dma_semaphore, #tpu.memory_space<semaphore_mem>>
        %dma_start3A_19 = arith.constant 0 : i32
        %dma_start3A_20 = tpu.memref_slice %arg4[%add3A_14, %dma_start3A_19] : memref<425984x32xf32, #tpu.memory_space<hbm>> -> memref<3328x32xf32, #tpu.memory_space<hbm>>
        %dma_start3A_21 = arith.constant 0 : i32
        %dma_start3A_22 = tpu.memref_slice %arg4[%add3A_14, %dma_start3A_21] : memref<425984x32xf32, #tpu.memory_space<hbm>> -> memref<3328x32xf32, #tpu.memory_space<hbm>>
        tpu.enqueue_dma source(%arg6 : memref<3328x32xf32, #tpu.memory_space<vmem>>) target(%dma_start3A_22 : memref<3328x32xf32, #tpu.memory_space<hbm>>) target_semaphore(%run_scoped3A : memref<!tpu.dma_semaphore, #tpu.memory_space<semaphore_mem>>)
        %dma_wait3A_23 = arith.constant 0 : i32
        %dma_wait3A_24 = tpu.memref_slice %arg4[%add3A_14, %dma_wait3A_23] : memref<425984x32xf32, #tpu.memory_space<hbm>> -> memref<3328x32xf32, #tpu.memory_space<hbm>>
        %dma_wait3A_25 = arith.constant 0 : i32
        %dma_wait3A_26 = tpu.memref_slice %arg4[%add3A_14, %dma_wait3A_25] : memref<425984x32xf32, #tpu.memory_space<hbm>> -> memref<3328x32xf32, #tpu.memory_space<hbm>>
        tpu.wait_dma2 semaphore(%run_scoped3A : memref<!tpu.dma_semaphore, #tpu.memory_space<semaphore_mem>>) src(%arg6 : memref<3328x32xf32, #tpu.memory_space<vmem>>) dst(%dma_wait3A_26 : memref<3328x32xf32, #tpu.memory_space<hbm>>)
        tpu.yield
      }) : () -> ()
    }
    %scan3A_6 = arith.constant 4 : i32
    return
  }
}

module attributes {stable_mosaic.version = 14 : i64} {
  func.func @_mlp_body(%arg0: i32, %arg1: memref<512x13xf32, #tpu.memory_space<vmem>>, %arg2: memref<512x832xf32, #tpu.memory_space<vmem>>, %arg3: memref<13x1000xf32, #tpu.memory_space<vmem>>, %arg4: memref<832x1000xbf16, #tpu.memory_space<vmem>>, %arg5: memref<1x1000xf32, #tpu.memory_space<vmem>>, %arg6: memref<1000x1xbf16, #tpu.memory_space<vmem>>, %arg7: memref<13x128xf32, #tpu.memory_space<vmem>>, %arg8: memref<832x128xbf16, #tpu.memory_space<vmem>>, %arg9: memref<1x128xf32, #tpu.memory_space<vmem>>, %arg10: memref<128x64xf32, #tpu.memory_space<vmem>>, %arg11: memref<1x64xf32, #tpu.memory_space<vmem>>, %arg12: memref<64x32xf32, #tpu.memory_space<vmem>>, %arg13: memref<1x32xf32, #tpu.memory_space<vmem>>, %arg14: memref<32x1xf32, #tpu.memory_space<vmem>>, %arg15: memref<1x1xf32, #tpu.memory_space<vmem>>, %arg16: memref<512x1xf32, #tpu.memory_space<vmem>>) attributes {dimension_semantics = [#tpu.dimension_semantics<arbitrary>], iteration_bounds = array<i64: 32>, scalar_prefetch = 0 : i64, scratch_operands = 0 : i64, tpu.core_type = #tpu.core_type<tc>, window_params = [{transform_indices = @transform_0, window_bounds = array<i64: 512, 13>}, {transform_indices = @transform_1, window_bounds = array<i64: 512, 832>}, {pipeline_mode = #tpu.pipeline_mode<synchronous>, transform_indices = @transform_2, window_bounds = array<i64: 13, 1000>}, {pipeline_mode = #tpu.pipeline_mode<synchronous>, transform_indices = @transform_3, window_bounds = array<i64: 832, 1000>}, {pipeline_mode = #tpu.pipeline_mode<synchronous>, transform_indices = @transform_4, window_bounds = array<i64: 1, 1000>}, {pipeline_mode = #tpu.pipeline_mode<synchronous>, transform_indices = @transform_5, window_bounds = array<i64: 1000, 1>}, {pipeline_mode = #tpu.pipeline_mode<synchronous>, transform_indices = @transform_6, window_bounds = array<i64: 13, 128>}, {pipeline_mode = #tpu.pipeline_mode<synchronous>, transform_indices = @transform_7, window_bounds = array<i64: 832, 128>}, {pipeline_mode = #tpu.pipeline_mode<synchronous>, transform_indices = @transform_8, window_bounds = array<i64: 1, 128>}, {pipeline_mode = #tpu.pipeline_mode<synchronous>, transform_indices = @transform_9, window_bounds = array<i64: 128, 64>}, {pipeline_mode = #tpu.pipeline_mode<synchronous>, transform_indices = @transform_10, window_bounds = array<i64: 1, 64>}, {pipeline_mode = #tpu.pipeline_mode<synchronous>, transform_indices = @transform_11, window_bounds = array<i64: 64, 32>}, {pipeline_mode = #tpu.pipeline_mode<synchronous>, transform_indices = @transform_12, window_bounds = array<i64: 1, 32>}, {pipeline_mode = #tpu.pipeline_mode<synchronous>, transform_indices = @transform_13, window_bounds = array<i64: 32, 1>}, {pipeline_mode = #tpu.pipeline_mode<synchronous>, transform_indices = @transform_14, window_bounds = array<i64: 1, 1>}, {transform_indices = @transform_15, window_bounds = array<i64: 512, 1>}]} {
    %get3A = arith.constant 0 : index
    %get3A_0 = arith.constant 0 : index
    %get3A_1 = vector.load %arg1[%get3A, %get3A_0] : memref<512x13xf32, #tpu.memory_space<vmem>>, vector<512x13xf32>
    %get3A_2 = arith.constant 0 : index
    %get3A_3 = arith.constant 0 : index
    %get3A_4 = vector.load %arg2[%get3A_2, %get3A_3] : memref<512x832xf32, #tpu.memory_space<vmem>>, vector<512x832xf32>
    %convert_element_type3A = arith.truncf %get3A_4 : vector<512x832xf32> to vector<512x832xbf16>
    %get3A_5 = arith.constant 0 : index
    %get3A_6 = arith.constant 0 : index
    %get3A_7 = vector.load %arg3[%get3A_5, %get3A_6] : memref<13x1000xf32, #tpu.memory_space<vmem>>, vector<13x1000xf32>
    %dot_general3A = arith.constant dense<0.000000e+00> : vector<512x1000xf32>
    %dot_general3A_8 = tpu.matmul %get3A_1, %get3A_7, %dot_general3A {dimension_numbers = #tpu.dot_dimension_numbers<[1], [0], [0], [1], [0, 0, 1, 1], [], []>, transpose_lhs_hint = false} : vector<512x13xf32>, vector<13x1000xf32>, vector<512x1000xf32> -> vector<512x1000xf32>
    %get3A_9 = arith.constant 0 : index
    %get3A_10 = arith.constant 0 : index
    %get3A_11 = vector.load %arg4[%get3A_9, %get3A_10] : memref<832x1000xbf16, #tpu.memory_space<vmem>>, vector<832x1000xbf16>
    %dot_general3A_12 = arith.constant dense<0.000000e+00> : vector<512x1000xf32>
    %dot_general3A_13 = tpu.matmul %convert_element_type3A, %get3A_11, %dot_general3A_12 {dimension_numbers = #tpu.dot_dimension_numbers<[1], [0], [0], [1], [0, 0, 1, 1], [], []>, transpose_lhs_hint = false} : vector<512x832xbf16>, vector<832x1000xbf16>, vector<512x1000xf32> -> vector<512x1000xf32>
    %add3A = arith.addf %dot_general3A_8, %dot_general3A_13 : vector<512x1000xf32>
    %get3A_14 = arith.constant 0 : index
    %get3A_15 = arith.constant 0 : index
    %get3A_16 = vector.load %arg5[%get3A_14, %get3A_15] : memref<1x1000xf32, #tpu.memory_space<vmem>>, vector<1x1000xf32>
    %add3A_17 = vector.broadcast %get3A_16 : vector<1x1000xf32> to vector<512x1000xf32>
    %add3A_18 = arith.addf %add3A, %add3A_17 : vector<512x1000xf32>
    %max3A = arith.constant 0.000000e+00 : f32
    %max3A_19 = vector.broadcast %max3A : f32 to vector<512x1000xf32>
    %max3A_20 = arith.maximumf %add3A_18, %max3A_19 : vector<512x1000xf32>
    %convert_element_type3A_21 = arith.truncf %max3A_20 : vector<512x1000xf32> to vector<512x1000xbf16>
    %get3A_22 = arith.constant 0 : index
    %get3A_23 = arith.constant 0 : index
    %get3A_24 = vector.load %arg6[%get3A_22, %get3A_23] : memref<1000x1xbf16, #tpu.memory_space<vmem>>, vector<1000x1xbf16>
    %dot_general3A_25 = arith.constant dense<0.000000e+00> : vector<512x1xf32>
    %dot_general3A_26 = tpu.matmul %convert_element_type3A_21, %get3A_24, %dot_general3A_25 {dimension_numbers = #tpu.dot_dimension_numbers<[1], [0], [0], [1], [0, 0, 1, 1], [], []>, transpose_lhs_hint = false} : vector<512x1000xbf16>, vector<1000x1xbf16>, vector<512x1xf32> -> vector<512x1xf32>
    %get3A_27 = arith.constant 0 : index
    %get3A_28 = arith.constant 0 : index
    %get3A_29 = vector.load %arg7[%get3A_27, %get3A_28] : memref<13x128xf32, #tpu.memory_space<vmem>>, vector<13x128xf32>
    %dot_general3A_30 = arith.constant dense<0.000000e+00> : vector<512x128xf32>
    %dot_general3A_31 = tpu.matmul %get3A_1, %get3A_29, %dot_general3A_30 {dimension_numbers = #tpu.dot_dimension_numbers<[1], [0], [0], [1], [0, 0, 1, 1], [], []>, transpose_lhs_hint = false} : vector<512x13xf32>, vector<13x128xf32>, vector<512x128xf32> -> vector<512x128xf32>
    %get3A_32 = arith.constant 0 : index
    %get3A_33 = arith.constant 0 : index
    %get3A_34 = vector.load %arg8[%get3A_32, %get3A_33] : memref<832x128xbf16, #tpu.memory_space<vmem>>, vector<832x128xbf16>
    %dot_general3A_35 = arith.constant dense<0.000000e+00> : vector<512x128xf32>
    %dot_general3A_36 = tpu.matmul %convert_element_type3A, %get3A_34, %dot_general3A_35 {dimension_numbers = #tpu.dot_dimension_numbers<[1], [0], [0], [1], [0, 0, 1, 1], [], []>, transpose_lhs_hint = false} : vector<512x832xbf16>, vector<832x128xbf16>, vector<512x128xf32> -> vector<512x128xf32>
    %add3A_37 = arith.addf %dot_general3A_31, %dot_general3A_36 : vector<512x128xf32>
    %get3A_38 = arith.constant 0 : index
    %get3A_39 = arith.constant 0 : index
    %get3A_40 = vector.load %arg9[%get3A_38, %get3A_39] : memref<1x128xf32, #tpu.memory_space<vmem>>, vector<1x128xf32>
    %add3A_41 = vector.broadcast %get3A_40 : vector<1x128xf32> to vector<512x128xf32>
    %add3A_42 = arith.addf %add3A_37, %add3A_41 : vector<512x128xf32>
    %max3A_43 = arith.constant 0.000000e+00 : f32
    %max3A_44 = vector.broadcast %max3A_43 : f32 to vector<512x128xf32>
    %max3A_45 = arith.maximumf %add3A_42, %max3A_44 : vector<512x128xf32>
    %get3A_46 = arith.constant 0 : index
    %get3A_47 = arith.constant 0 : index
    %get3A_48 = vector.load %arg10[%get3A_46, %get3A_47] : memref<128x64xf32, #tpu.memory_space<vmem>>, vector<128x64xf32>
    %dot_general3A_49 = arith.constant dense<0.000000e+00> : vector<512x64xf32>
    %dot_general3A_50 = tpu.matmul %max3A_45, %get3A_48, %dot_general3A_49 {dimension_numbers = #tpu.dot_dimension_numbers<[1], [0], [0], [1], [0, 0, 1, 1], [], []>, transpose_lhs_hint = false} : vector<512x128xf32>, vector<128x64xf32>, vector<512x64xf32> -> vector<512x64xf32>
    %get3A_51 = arith.constant 0 : index
    %get3A_52 = arith.constant 0 : index
    %get3A_53 = vector.load %arg11[%get3A_51, %get3A_52] : memref<1x64xf32, #tpu.memory_space<vmem>>, vector<1x64xf32>
    %add3A_54 = vector.broadcast %get3A_53 : vector<1x64xf32> to vector<512x64xf32>
    %add3A_55 = arith.addf %dot_general3A_50, %add3A_54 : vector<512x64xf32>
    %max3A_56 = arith.constant 0.000000e+00 : f32
    %max3A_57 = vector.broadcast %max3A_56 : f32 to vector<512x64xf32>
    %max3A_58 = arith.maximumf %add3A_55, %max3A_57 : vector<512x64xf32>
    %get3A_59 = arith.constant 0 : index
    %get3A_60 = arith.constant 0 : index
    %get3A_61 = vector.load %arg12[%get3A_59, %get3A_60] : memref<64x32xf32, #tpu.memory_space<vmem>>, vector<64x32xf32>
    %dot_general3A_62 = arith.constant dense<0.000000e+00> : vector<512x32xf32>
    %dot_general3A_63 = tpu.matmul %max3A_58, %get3A_61, %dot_general3A_62 {dimension_numbers = #tpu.dot_dimension_numbers<[1], [0], [0], [1], [0, 0, 1, 1], [], []>, transpose_lhs_hint = false} : vector<512x64xf32>, vector<64x32xf32>, vector<512x32xf32> -> vector<512x32xf32>
    %get3A_64 = arith.constant 0 : index
    %get3A_65 = arith.constant 0 : index
    %get3A_66 = vector.load %arg13[%get3A_64, %get3A_65] : memref<1x32xf32, #tpu.memory_space<vmem>>, vector<1x32xf32>
    %add3A_67 = vector.broadcast %get3A_66 : vector<1x32xf32> to vector<512x32xf32>
    %add3A_68 = arith.addf %dot_general3A_63, %add3A_67 : vector<512x32xf32>
    %max3A_69 = arith.constant 0.000000e+00 : f32
    %max3A_70 = vector.broadcast %max3A_69 : f32 to vector<512x32xf32>
    %max3A_71 = arith.maximumf %add3A_68, %max3A_70 : vector<512x32xf32>
    %get3A_72 = arith.constant 0 : index
    %get3A_73 = arith.constant 0 : index
    %get3A_74 = vector.load %arg14[%get3A_72, %get3A_73] : memref<32x1xf32, #tpu.memory_space<vmem>>, vector<32x1xf32>
    %dot_general3A_75 = arith.constant dense<0.000000e+00> : vector<512x1xf32>
    %dot_general3A_76 = tpu.matmul %max3A_71, %get3A_74, %dot_general3A_75 {dimension_numbers = #tpu.dot_dimension_numbers<[1], [0], [0], [1], [0, 0, 1, 1], [], []>, transpose_lhs_hint = false} : vector<512x32xf32>, vector<32x1xf32>, vector<512x1xf32> -> vector<512x1xf32>
    %add3A_77 = arith.addf %dot_general3A_26, %dot_general3A_76 : vector<512x1xf32>
    %get3A_78 = arith.constant 0 : index
    %get3A_79 = arith.constant 0 : index
    %get3A_80 = vector.load %arg15[%get3A_78, %get3A_79] : memref<1x1xf32, #tpu.memory_space<vmem>>, vector<1x1xf32>
    %add3A_81 = vector.broadcast %get3A_80 : vector<1x1xf32> to vector<512x1xf32>
    %add3A_82 = arith.addf %add3A_77, %add3A_81 : vector<512x1xf32>
    %swap3A = arith.constant 0 : index
    %swap3A_83 = arith.constant 0 : index
    %swap3A_84 = vector.load %arg16[%swap3A, %swap3A_83] : memref<512x1xf32, #tpu.memory_space<vmem>>, vector<512x1xf32>
    tpu.vector_store %arg16[%swap3A, %swap3A_83], %add3A_82 {strides = array<i32>} : memref<512x1xf32, #tpu.memory_space<vmem>>, vector<512x1xf32>,
    return
  }
  func.func @transform_0(%arg0: i32) -> (i32, i32) {
    %c0_i32 = arith.constant 0 : i32
    %c0_i32_0 = arith.constant 0 : i32
    return %arg0, %c0_i32 : i32, i32
  }
  func.func @transform_1(%arg0: i32) -> (i32, i32) {
    %c0_i32 = arith.constant 0 : i32
    %c0_i32_0 = arith.constant 0 : i32
    return %arg0, %c0_i32 : i32, i32
  }
  func.func @transform_2(%arg0: i32) -> (i32, i32) {
    %c0_i32 = arith.constant 0 : i32
    %c0_i32_0 = arith.constant 0 : i32
    %c0_i32_1 = arith.constant 0 : i32
    return %c0_i32, %c0_i32_0 : i32, i32
  }
  func.func @transform_3(%arg0: i32) -> (i32, i32) {
    %c0_i32 = arith.constant 0 : i32
    %c0_i32_0 = arith.constant 0 : i32
    %c0_i32_1 = arith.constant 0 : i32
    return %c0_i32, %c0_i32_0 : i32, i32
  }
  func.func @transform_4(%arg0: i32) -> (i32, i32) {
    %c0_i32 = arith.constant 0 : i32
    %c0_i32_0 = arith.constant 0 : i32
    %c0_i32_1 = arith.constant 0 : i32
    return %c0_i32, %c0_i32_0 : i32, i32
  }
  func.func @transform_5(%arg0: i32) -> (i32, i32) {
    %c0_i32 = arith.constant 0 : i32
    %c0_i32_0 = arith.constant 0 : i32
    %c0_i32_1 = arith.constant 0 : i32
    return %c0_i32, %c0_i32_0 : i32, i32
  }
  func.func @transform_6(%arg0: i32) -> (i32, i32) {
    %c0_i32 = arith.constant 0 : i32
    %c0_i32_0 = arith.constant 0 : i32
    %c0_i32_1 = arith.constant 0 : i32
    return %c0_i32, %c0_i32_0 : i32, i32
  }
  func.func @transform_7(%arg0: i32) -> (i32, i32) {
    %c0_i32 = arith.constant 0 : i32
    %c0_i32_0 = arith.constant 0 : i32
    %c0_i32_1 = arith.constant 0 : i32
    return %c0_i32, %c0_i32_0 : i32, i32
  }
  func.func @transform_8(%arg0: i32) -> (i32, i32) {
    %c0_i32 = arith.constant 0 : i32
    %c0_i32_0 = arith.constant 0 : i32
    %c0_i32_1 = arith.constant 0 : i32
    return %c0_i32, %c0_i32_0 : i32, i32
  }
  func.func @transform_9(%arg0: i32) -> (i32, i32) {
    %c0_i32 = arith.constant 0 : i32
    %c0_i32_0 = arith.constant 0 : i32
    %c0_i32_1 = arith.constant 0 : i32
    return %c0_i32, %c0_i32_0 : i32, i32
  }
  func.func @transform_10(%arg0: i32) -> (i32, i32) {
    %c0_i32 = arith.constant 0 : i32
    %c0_i32_0 = arith.constant 0 : i32
    %c0_i32_1 = arith.constant 0 : i32
    return %c0_i32, %c0_i32_0 : i32, i32
  }
  func.func @transform_11(%arg0: i32) -> (i32, i32) {
    %c0_i32 = arith.constant 0 : i32
    %c0_i32_0 = arith.constant 0 : i32
    %c0_i32_1 = arith.constant 0 : i32
    return %c0_i32, %c0_i32_0 : i32, i32
  }
  func.func @transform_12(%arg0: i32) -> (i32, i32) {
    %c0_i32 = arith.constant 0 : i32
    %c0_i32_0 = arith.constant 0 : i32
    %c0_i32_1 = arith.constant 0 : i32
    return %c0_i32, %c0_i32_0 : i32, i32
  }
  func.func @transform_13(%arg0: i32) -> (i32, i32) {
    %c0_i32 = arith.constant 0 : i32
    %c0_i32_0 = arith.constant 0 : i32
    %c0_i32_1 = arith.constant 0 : i32
    return %c0_i32, %c0_i32_0 : i32, i32
  }
  func.func @transform_14(%arg0: i32) -> (i32, i32) {
    %c0_i32 = arith.constant 0 : i32
    %c0_i32_0 = arith.constant 0 : i32
    %c0_i32_1 = arith.constant 0 : i32
    return %c0_i32, %c0_i32_0 : i32, i32
  }
  func.func @transform_15(%arg0: i32) -> (i32, i32) {
    %c0_i32 = arith.constant 0 : i32
    %c0_i32_0 = arith.constant 0 : i32
    return %arg0, %c0_i32 : i32, i32
  }
}

</mosaic_0001>

<sc_bundles>
// kernel: kernel.4.cloned.1.call-start
scs
__scs_entry_jumppad:
0x0: {  	(pc) =	sbr.rel $0x88, $3  }
0x1: {  	(tag) =	ssettag $0x0;
	lr =	simm.s32 $0x1  }
0x2: {  	[smem:$0x3F91] =	sst lr;
	_ =	strace $0xD0000000  }
0x3: {  	_ = 	snop  }
0x4: {  	_ = 	snop  }
0x5: {  	_ = 	snop  }
0x6: {  	_ = 	snop  }
0x7: {  	_ = 	snop  }
__scs_overlays_trampoline_lowered:
0x8: {  	[smem:$0x3FA0] =	sst s0  }
0x9: {  	[smem:$0x3FA1] =	sst s1  }
0xa: {  	[smem:$0x3FA2] =	sst s2  }
0xb: {  	[smem:$0x3FA3] =	sst s3  }
0xc: {  	[smem:$0x3FA4] =	sst s4  }
0xd: {  	[smem:$0x3FA5] =	sst s5  }
0xe: {  	[smem:$0x3FA6] =	sst s6  }
0xf: {  	[smem:$0x3FA7] =	sst s7  }
0x10: {  	[smem:$0x3FA8] =	sst s8  }
0x11: {  	[smem:$0x3FA9] =	sst s9;
	s0 =	simm.s32 @!p0 $0x0  }
0x12: {  	s1 =	sld [smem:$0x3F8F];
	s0 =	simm.s32 @p0 $0x1  }
0x13: {  	[smem:$0x3FAA] =	sst s0;
	s0 =	simm.s32 @!p1 $0x0  }
0x14: {  	s2 =	sld [smem:$0x3F8E];
	s0 =	simm.s32 @p1 $0x1  }
0x15: {  	[smem:$0x3FAB] =	sst s0;
	s0 =	simm.s32 @!p2 $0x0  }
0x16: {  	s3 =	sld [smem:$0x3FDB];
	s0 =	simm.s32 @p2 $0x1  }
0x17: {  	s4 =	simm.s32 $0x1BF5;
	[smem:$0x3FAD] =	sst s0  }
0x18: {  	s0 =	sld [smem:$0x3F90];
	_ =	swait.ge [sflag:s4], $0x0  }
0x19: {  	s7 =	sld [smem:$0x3F91]  }
0x1a: {  	s8 =	sadd.s32 $0xFFFFE003, lr  }
0x1b: {  	s9 =	sadd.s32 $0xFFFFFEF7, lr;
	s5 =	simm.s32 $0xFFFFFFFF;
	p2 =	slt.u32 s8, $0xFFFFF086  }
0x1c: {  	p1 =	slt.u32 s9, $0xF7A;
	s5 =	simm.s32 @!p2 $0x0  }
0x1d: {  	s5 =	simm.s32 @p1 $0x1;
	p0 =	seq.s32 s7, s2  }
0x1e: {  	s7 =	smul.u32 @!p0 $0xF7A, s2;
	p2 =	seq.s32 @!p0 s5, $0x0  }
0x1f: {  	s9 =	smul.u32 $0xF7A, s1;
	s8 =	simm.s32 @!p0 $0x1BF5;
	p2 =	por !p2, p0  }
0x20: {  	[sflag:s8] =	ssyncset.s32 @!p0 $0xFFFFF086;
	s6 =	sadd.s32 @!p0 s3, s7;
	s7 =	simm.s32 @!p0 $0x108  }
0x21: {  	s3 =	sadd.s32 s3, s9;
	s6 =	sadd.s32 @!p0 $0x88, s6;
	s7 =	simm.s32 @p2 $0x1082  }
0x22: {  	[simem:s7], [sflag:s8] =	dma.local @!p0 [hbm:s6], $0xF7A  }
0x23: {  	s9 =	sor.u32 $0xD0000000, s2;
	s6 =	simm.s32 $0x108;
	_ =	swait.ge @!p0 [sflag:s8], $0x0  }
0x24: {  	s3 =	sadd.s32 $0x88, s3;
	s6 =	simm.s32 @!p1 $0x1082;
	[sflag:s4] =	ssyncset.s32 $0xFFFFF086  }
0x25: {  	[simem:s6], [sflag:s4] =	dma.local [hbm:s3], $0xF7A  }
0x26: {  	[smem:$0x3F91] =	sst s1;
	(tag) =	ssettag s2;
	_ =	strace s9  }
0x27: {  	s1 =	sld [smem:$0x3FA1]  }
0x28: {  	s2 =	sld [smem:$0x3FA2]  }
0x29: {  	s4 =	sld [smem:$0x3FA4]  }
0x2a: {  	p0 =	seq.s32 s5, $0x0;
	s5 =	sld [smem:$0x3FA5]  }
0x2b: {  	s6 =	sld [smem:$0x3FA6]  }
0x2c: {  	s7 =	sld [smem:$0x3FA7]  }
0x2d: {  	s3 =	simm.s32 $0x108;
	s8 =	sld [smem:$0x3FA8]  }
0x2e: {  	s3 =	simm.s32 @!p0 $0x1082;
	s9 =	sld [smem:$0x3FA9]  }
0x2f: {  	lr =	sadd.s32 s0, s3;
	s0 =	sld [smem:$0x3FA0]  }
0x30: {  	s3 =	sld [smem:$0x3FA3]  }
0x31: {  	[smem:$0x3FAC] =	sst s10  }
0x32: {  	s10 =	sld [smem:$0x3FAA];
	_ =	sdelay $0x3  }
0x33: {  	p0 =	seq.s32 s10, $0x1;
	s10 =	sld [smem:$0x3FAC];
	_ =	sdelay $0x3  }
0x34: {  	[smem:$0x3FAC] =	sst s10  }
0x35: {  	s10 =	sld [smem:$0x3FAB];
	_ =	sdelay $0x3  }
0x36: {  	p1 =	seq.s32 s10, $0x1;
	s10 =	sld [smem:$0x3FAC];
	_ =	sdelay $0x3  }
0x37: {  	[smem:$0x3FAC] =	sst s10  }
0x38: {  	s10 =	sld [smem:$0x3FAD]  }
0x39: {  	_ = 	snop;
	(pc) =	sbr.ind lr, $3  }
0x3a: {  	_ = 	snop  }
0x3b: {  	_ = 	snop  }
0x3c: {  	p2 =	seq.s32 s10, $0x1;
	s10 =	sld [smem:$0x3FAC]  }
0x3d: {  	_ =	shalt  }
0x3e: {  	_ =	shalt  }
0x3f: {  	_ =	shalt  }
0x40: {  	_ =	shalt  }
0x41: {  	_ =	shalt  }
0x42: {  	_ =	shalt  }
0x43: {  	_ =	shalt  }
0x44: {  	_ =	shalt  }
0x45: {  	_ =	shalt  }
0x46: {  	_ =	shalt  }
0x47: {  	_ =	shalt  }
0x48: {  	_ =	shalt  }
0x49: {  	_ =	shalt  }
0x4a: {  	_ =	shalt  }
0x4b: {  	_ =	shalt  }
0x4c: {  	_ =	shalt  }
0x4d: {  	_ =	shalt  }
0x4e: {  	_ =	shalt  }
0x4f: {  	_ =	shalt  }
0x50: {  	_ =	shalt  }
0x51: {  	_ =	shalt  }
0x52: {  	_ =	shalt  }
0x53: {  	_ =	shalt  }
0x54: {  	_ =	shalt  }
0x55: {  	_ =	shalt  }
0x56: {  	_ =	shalt  }
0x57: {  	_ =	shalt  }
0x58: {  	_ =	shalt  }
0x59: {  	_ =	shalt  }
0x5a: {  	_ =	shalt  }
0x5b: {  	_ =	shalt  }
0x5c: {  	_ =	shalt  }
0x5d: {  	_ =	shalt  }
0x5e: {  	_ =	shalt  }
0x5f: {  	_ =	shalt  }
0x60: {  	_ =	shalt  }
0x61: {  	_ =	shalt  }
0x62: {  	_ =	shalt  }
0x63: {  	_ =	shalt  }
0x64: {  	_ =	shalt  }
0x65: {  	_ =	shalt  }
0x66: {  	_ =	shalt  }
0x67: {  	_ =	shalt  }
0x68: {  	_ =	shalt  }
0x69: {  	_ =	shalt  }
0x6a: {  	_ =	shalt  }
0x6b: {  	_ =	shalt  }
0x6c: {  	_ =	shalt  }
0x6d: {  	_ =	shalt  }
0x6e: {  	_ =	shalt  }
0x6f: {  	_ =	shalt  }
0x70: {  	_ =	shalt  }
0x71: {  	_ =	shalt  }
0x72: {  	_ =	shalt  }
0x73: {  	_ =	shalt  }
0x74: {  	_ =	shalt  }
0x75: {  	_ =	shalt  }
0x76: {  	_ =	shalt  }
0x77: {  	_ =	shalt  }
0x78: {  	_ =	shalt  }
0x79: {  	_ =	shalt  }
0x7a: {  	_ =	shalt  }
0x7b: {  	_ =	shalt  }
0x7c: {  	_ =	shalt  }
0x7d: {  	_ =	shalt  }
0x7e: {  	_ =	shalt  }
0x7f: {  	_ =	shalt  }
0x80: {  	_ =	shalt  }
0x81: {  	_ =	shalt  }
0x82: {  	_ =	shalt  }
0x83: {  	_ =	shalt  }
0x84: {  	_ =	shalt  }
0x85: {  	_ =	shalt  }
0x86: {  	_ =	shalt  }
0x87: {  	_ =	shalt  }
.Lfunc_end0:
.L_simem_size_0:
called_computation_lowered:
.L_overlay_start_0:
0x88: {  	s2 =	sld [smem:$0x3FD9]  }
0x89: {  	s3 =	sld [smem:$0x3FFE];
	_ =	sdelay $0x1  }
0x8a: {  	s1 =	srdreg.scid  }
0x8b: {  	s0 =	sand.u32 $0x1, s1  }
0x8c: {  	s16 =	sshll.u32 s0, $0xA;
	s2 =	sadd.s32 s3, s2  }
0x8d: {  	s2 =	sadd.s32 s2, s16  }
0x8e: {  	[smem:$0x3FB8] =	sst s2  }
0x8f: {  	_ = 	snop  }
0x90: {  	(tm) =	ssettm $0x1  }
0x91: {  	s17 =	sld [smem:$0x3FFB];
	_ =	sdelay $0x3  }
0x92: {  	_ =	strace s17  }
0x93: {  	s2 =	sld [smem:$0x3FFC];
	_ =	sdelay $0x3  }
0x94: {  	_ =	strace s2  }
0x95: {  	s2 =	sld [smem:$0x3FFD];
	_ =	sdelay $0x3  }
0x96: {  	_ =	strace s2  }
0x97: {  	_ =	strace $0x8FFFFFFF  }
0x98: {  	s18 =	sld [smem:$0x3FDB];
	_ =	sdelay $0x1  }
0x99: {  	s19 =	simm.s32 $_scs_section_size  }
0x9a: {  	s4 =	simm.s32 $_size__tile_overlayer_lowered;
	s5 =	simm.s32 $_tile_overlayer_lowered  }
0x9b: {  	s22 =	simm.s32 $0x1BFF;
	s21 =	sshll.u32 s5, $0x1;
	s2 =	sadd.s32 s19, s18  }
0x9c: {  	s6 =	simm.s32 $0x0;
	s20 =	sshll.u32 s4, $0x1;
	s4 =	sadd.s32 s21, s2  }
0x9d: {  	[timem:s6], [sflag:s22] =	dma.local [hbm:s4], s20  }
0x9e: {  	_ =	swait.ge [sflag:s22], s20  }
0x9f: {  	s3 =	ssub.s32 $0x0, s20;
	[sflag:s22] =	ssyncset.done $0x0  }
0xa0: {  	[sflag:s22] =	ssyncadd.s32 s3;
	_ =	sdelay $0x1  }
0xa1: {  	s23 =	simm.s32 $0x1B8B  }
0xa2: {  	_ =	swait.ge [sflag:s23], $0x1  }
0xa3: {  	[sflag:s23] =	ssyncset.done $0x0  }
0xa4: {  	s25 =	simm.s32 $0x1B8E;
	s24 =	sld [smem:$0x3FFE];
	[sflag:s23] =	ssyncadd.s32 $0xFFFFFFFF  }
0xa5: {  	s26 =	simm.s32 $execute0_lowered;
	[smem:$0x3FD2] =	sst s25  }
0xa6: {  	s4 =	sshll.u32 s26, $0x1;
	_ =	strace $0x80000046;
	[dreg:$0x1] =	wrdreg $0xFFFFFFFF  }
0xa7: {  	s28 =	simm.s32 $_size_execute0_lowered;
	s2 =	sadd.s32 s2, s4;
	[dreg:$0x0] =	wrdreg $0x0  }
0xa8: {  	s4 =	sshll.u32 s28, $0x1;
	[dreg:$0x2] =	wrdreg s2  }
0xa9: {  	[dreg:$0x3] =	wrdreg s4  }
0xaa: {  	[dreg:$0x4] =	wrdreg $0xC0  }
0xab: {  	_ =	task [dreg:s6], $0x5FFFF  }
0xac: {  	[dreg:$0x1] =	wrdreg $0xFFFFFFFF  }
0xad: {  	[dreg:$0x0] =	wrdreg $0x60  }
0xae: {  	[dreg:$0x2] =	wrdreg s24  }
0xaf: {  	[dreg:$0x3] =	wrdreg $0x9  }
0xb0: {  	_ =	task.clear_ibuf [dreg:s6], $0x4FFFF;
	_ =	strace $0x90000046  }
0xb1: {  	s29 =	simm.s32 $0x9;
	_ =	strace $0x80000048  }
0xb2: {  	_ =	swait.ge [sflag:s29], $0x1  }
0xb3: {  	[sflag:s29] =	ssyncadd.s32 $0xFFFFFFFF  }
0xb4: {  	_ =	strace $0x90000048  }
0xb5: {  	_ =	sfence  }
0xb6: {  	s30 =	sld [smem:$0x0];
	_ =	sdelay $0x2  }
0xb7: {  	s31 =	sshll.u32 s1, $0xD;
	s1 =	sshrl.u32 s1, $0x2  }
0xb8: {  	s3 =	sand.u32 $0x4000, s31;
	s1 =	sadd.s32 s1, s30  }
0xb9: {  	s0 =	sor.u32 s3, s0;
	s1 =	sshll.u32 s1, $0x11  }
0xba: {  	s0 =	sor.u32 s1, s0  }
0xbb: {  	s0 =	sadd.s32 $0x8F2B, s0  }
0xbc: {  	[sflag:s0] =	ssyncadd.remote.s32 $0x1  }
0xbd: {  	_ =	sfence.sel $0xFFFF  }
0xbe: {  	[dreg:$0x0] =	wrdreg $0xFFFFFFFF;
	(pc) =	sbr.abs _section_cstart, $3  }
0xbf: {  	[dreg:$0x1] =	wrdreg $0xFFFFFFFF  }
0xc0: {  	_ =	task.clear_ibuf [dreg:s6], $0x2FFFF;
	_ =	strace $0x9FFFFFFF  }
0xc1: {  	(tm) =	ssettm $0x7FFFFFFF  }
tec
execute0_lowered:
.L_overlay_start_1:
0x0: {  	(tag) =	ssettag $0x1  }
0x1: {  	s1 =	srdreg.scid;
	s0 =	stileid.u32  }
0x2: {  	s14 =	sand.u32 $0x1, s1;
	s28 =	sshll.u32 s0, $0x1  }
0x3: {  	s8 =	sor.u32 s14, s28  }
0x4: {  	s9 =	rddreg [dreg:$0x0];
	s13 =	smul.u32 $0x3400, s8  }
0x5: {  	s2 =	simm.s32 $0x0;
	s1 =	rddreg [dreg:$0x1]  }
0x6: {  	[smem:$0x7FF] =	sst s2;
	s15 =	sadd.s32 $0x1E00, s9;
	s3 =	sshrl.u32 s13, $0x3  }
0x7: {  	_ =	strace $0x80000047;
	s4 =	sadd.s32 s15, s3;
	s3 =	simm.s32 $0x2  }
0x8: {  	[tilespmem:s2], [sflag:$0x2] =	stream.linear.gather [hbm4b:s4+s2], $0xD00, $0x38;
	[tilespmem:$0x1AD00] =	vst v63  }
0x9: {  	_ =	swait.ge [sflag:s3], $0xD00  }
0xa: {  	s6 =	simm.s32 $0xD00;
	[sflag:s3] =	ssyncset.done $0x0  }
0xb: {  	s7 =	simm.s32 $0x1;
	s5 =	sadd.s32 $0x27AE200, s9;
	[sflag:s3] =	ssyncadd.s32 $0xFFFFF300  }
0xc: {  	[tilespmem:s6], [sflag:$0x1] =	stream.indirect.gather [hbm4b:s5+s6], $0x20, s2, s6, $0xb8;
	[tilespmem:$0x1AD00] =	vst v63  }
0xd: {  	s8 =	smul.u32 $0xD000, s8;
	_ =	swait.ge [sflag:s7], $0x1A000  }
0xe: {  	s16 =	sadd.s32 $0xEE00, s9;
	[sflag:s7] =	ssyncset.done $0x0  }
0xf: {  	s8 =	sadd.s32 s16, s8;
	[sflag:s7] =	ssyncadd.s32 $0xFFFE6000  }
0x10: {  	[hbm4b:s8+s2] =	stream.linear.scatter [tilespmem:s6], [sflag:$0x2], $0x1A000, $0x38;
	[tilespmem:$0x1AD00] =	vst v63  }
0x11: {  	s10 =	sadd.s32 $0xD00, s13;
	_ =	swait.ge [sflag:s3], $0x1A000  }
0x12: {  	s29 =	sshrl.u32 s10, $0x3;
	[sflag:s3] =	ssyncset.done $0x0  }
0x13: {  	s9 =	sadd.s32 s15, s29;
	[sflag:s3] =	ssyncadd.s32 $0xFFFE6000  }
0x14: {  	[tilespmem:s2], [sflag:$0x2] =	stream.linear.gather [hbm4b:s9+s2], $0xD00, $0x38;
	[tilespmem:$0x1AD00] =	vst v63  }
0x15: {  	_ =	swait.ge [sflag:s3], $0xD00  }
0x16: {  	[sflag:s3] =	ssyncset.done $0x0  }
0x17: {  	[sflag:s3] =	ssyncadd.s32 $0xFFFFF300  }
0x18: {  	[tilespmem:s6], [sflag:$0x1] =	stream.indirect.gather [hbm4b:s5+s6], $0x20, s2, s6, $0xb8;
	[tilespmem:$0x1AD00] =	vst v63  }
0x19: {  	_ =	swait.ge [sflag:s7], $0x1A000  }
0x1a: {  	s10 =	sshll.u32 s10, $0x2;
	[sflag:s7] =	ssyncset.done $0x0  }
0x1b: {  	s10 =	sadd.s32 s16, s10;
	[sflag:s7] =	ssyncadd.s32 $0xFFFE6000  }
0x1c: {  	[hbm4b:s10+s2] =	stream.linear.scatter [tilespmem:s6], [sflag:$0x2], $0x1A000, $0x38;
	[tilespmem:$0x1AD00] =	vst v63  }
0x1d: {  	s12 =	sadd.s32 $0x1A00, s13;
	_ =	swait.ge [sflag:s3], $0x1A000  }
0x1e: {  	s11 =	sshrl.u32 s12, $0x3;
	[sflag:s3] =	ssyncset.done $0x0  }
0x1f: {  	s11 =	sadd.s32 s15, s11;
	[sflag:s3] =	ssyncadd.s32 $0xFFFE6000  }
0x20: {  	[tilespmem:s2], [sflag:$0x2] =	stream.linear.gather [hbm4b:s11+s2], $0xD00, $0x38;
	[tilespmem:$0x1AD00] =	vst v63  }
0x21: {  	_ =	swait.ge [sflag:s3], $0xD00  }
0x22: {  	[sflag:s3] =	ssyncset.done $0x0  }
0x23: {  	[sflag:s3] =	ssyncadd.s32 $0xFFFFF300  }
0x24: {  	[tilespmem:s6], [sflag:$0x1] =	stream.indirect.gather [hbm4b:s5+s6], $0x20, s2, s6, $0xb8;
	[tilespmem:$0x1AD00] =	vst v63  }
0x25: {  	_ =	swait.ge [sflag:s7], $0x1A000  }
0x26: {  	s12 =	sshll.u32 s12, $0x2;
	[sflag:s7] =	ssyncset.done $0x0  }
0x27: {  	s12 =	sadd.s32 s16, s12;
	[sflag:s7] =	ssyncadd.s32 $0xFFFE6000  }
0x28: {  	[hbm4b:s12+s2] =	stream.linear.scatter [tilespmem:s6], [sflag:$0x2], $0x1A000, $0x38;
	[tilespmem:$0x1AD00] =	vst v63  }
0x29: {  	s17 =	sadd.s32 $0x2700, s13;
	_ =	swait.ge [sflag:s3], $0x1A000  }
0x2a: {  	s13 =	sshrl.u32 s17, $0x3;
	[sflag:s3] =	ssyncset.done $0x0  }
0x2b: {  	s14 =	ssub.s32 $0x2, s14;
	s13 =	sadd.s32 s15, s13;
	[sflag:s3] =	ssyncadd.s32 $0xFFFE6000  }
0x2c: {  	[tilespmem:s2], [sflag:$0x2] =	stream.linear.gather [hbm4b:s13+s2], $0xD00, $0x38;
	[tilespmem:$0x1AD00] =	vst v63  }
0x2d: {  	s30 =	sshrl.u32 s14, $0x1;
	_ =	swait.ge [sflag:s3], $0xD00  }
0x2e: {  	s15 =	ssub.s32 s14, s30;
	[sflag:s3] =	ssyncset.done $0x0  }
0x2f: {  	s15 =	smax.u32 s15, $0x1;
	[sflag:s3] =	ssyncadd.s32 $0xFFFFF300  }
0x30: {  	[tilespmem:s6], [sflag:$0x1] =	stream.indirect.gather [hbm4b:s5+s6], $0x20, s2, s6, $0xb8;
	[tilespmem:$0x1AD00] =	vst v63  }
0x31: {  	p0 =	sne.s32 s15, $0x1;
	_ =	swait.ge [sflag:s7], $0x1A000  }
.Ltmp0:
0x32: {  	s31 =	sshll.u32 s17, $0x2;
	[sflag:s7] =	ssyncset.done $0x0;
	(pc) =	sbr.rel @!p0 .LBB2_2-.Ltmp0, $4  }
0x33: {  	s14 =	sadd.s32 s16, s31;
	[sflag:s7] =	ssyncadd.s32 $0xFFFE6000  }
0x34: {  	[hbm4b:s14+s2] =	stream.linear.scatter [tilespmem:s6], [sflag:$0x2], $0x1A000, $0x38;
	[tilespmem:$0x1AD00] =	vst v63  }
0x35: {  	_ =	swait.ge [sflag:s3], $0x1A000  }
0x36: {  	s15 =	sadd.s32 $0xFFFFFFFF, s15;
	[sflag:s3] =	ssyncset.done $0x0  }
.LBB2_1:
0x37: {  	p0 =	sne.s32 s15, $0x1;
	s15 =	sadd.s32 $0xFFFFFFFF, s15;
	[sflag:s3] =	ssyncadd.s32 $0xFFFE6000  }
0x38: {  	[tilespmem:s2], [sflag:$0x2] =	stream.linear.gather [hbm4b:s4+s2], $0xD00, $0x38;
	[tilespmem:$0x1AD00] =	vst v63  }
0x39: {  	_ =	swait.ge [sflag:s3], $0xD00  }
0x3a: {  	[sflag:s3] =	ssyncset.done $0x0  }
0x3b: {  	[sflag:s3] =	ssyncadd.s32 $0xFFFFF300  }
0x3c: {  	[tilespmem:s6], [sflag:$0x1] =	stream.indirect.gather [hbm4b:s5+s6], $0x20, s2, s6, $0xb8;
	[tilespmem:$0x1AD00] =	vst v63  }
0x3d: {  	_ =	swait.ge [sflag:s7], $0x1A000  }
0x3e: {  	[sflag:s7] =	ssyncset.done $0x0  }
0x3f: {  	[sflag:s7] =	ssyncadd.s32 $0xFFFE6000  }
0x40: {  	[hbm4b:s8+s2] =	stream.linear.scatter [tilespmem:s6], [sflag:$0x2], $0x1A000, $0x38;
	[tilespmem:$0x1AD00] =	vst v63  }
0x41: {  	_ =	swait.ge [sflag:s3], $0x1A000  }
0x42: {  	[sflag:s3] =	ssyncset.done $0x0  }
0x43: {  	[sflag:s3] =	ssyncadd.s32 $0xFFFE6000  }
0x44: {  	[tilespmem:s2], [sflag:$0x2] =	stream.linear.gather [hbm4b:s9+s2], $0xD00, $0x38;
	[tilespmem:$0x1AD00] =	vst v63  }
0x45: {  	_ =	swait.ge [sflag:s3], $0xD00  }
0x46: {  	[sflag:s3] =	ssyncset.done $0x0  }
0x47: {  	[sflag:s3] =	ssyncadd.s32 $0xFFFFF300  }
0x48: {  	[tilespmem:s6], [sflag:$0x1] =	stream.indirect.gather [hbm4b:s5+s6], $0x20, s2, s6, $0xb8;
	[tilespmem:$0x1AD00] =	vst v63  }
0x49: {  	_ =	swait.ge [sflag:s7], $0x1A000  }
0x4a: {  	[sflag:s7] =	ssyncset.done $0x0  }
0x4b: {  	[sflag:s7] =	ssyncadd.s32 $0xFFFE6000  }
0x4c: {  	[hbm4b:s10+s2] =	stream.linear.scatter [tilespmem:s6], [sflag:$0x2], $0x1A000, $0x38;
	[tilespmem:$0x1AD00] =	vst v63  }
0x4d: {  	_ =	swait.ge [sflag:s3], $0x1A000  }
0x4e: {  	[sflag:s3] =	ssyncset.done $0x0  }
0x4f: {  	[sflag:s3] =	ssyncadd.s32 $0xFFFE6000  }
0x50: {  	[tilespmem:s2], [sflag:$0x2] =	stream.linear.gather [hbm4b:s11+s2], $0xD00, $0x38;
	[tilespmem:$0x1AD00] =	vst v63  }
0x51: {  	_ =	swait.ge [sflag:s3], $0xD00  }
0x52: {  	[sflag:s3] =	ssyncset.done $0x0  }
0x53: {  	[sflag:s3] =	ssyncadd.s32 $0xFFFFF300  }
0x54: {  	[tilespmem:s6], [sflag:$0x1] =	stream.indirect.gather [hbm4b:s5+s6], $0x20, s2, s6, $0xb8;
	[tilespmem:$0x1AD00] =	vst v63  }
0x55: {  	_ =	swait.ge [sflag:s7], $0x1A000  }
0x56: {  	[sflag:s7] =	ssyncset.done $0x0  }
0x57: {  	[sflag:s7] =	ssyncadd.s32 $0xFFFE6000  }
0x58: {  	[hbm4b:s12+s2] =	stream.linear.scatter [tilespmem:s6], [sflag:$0x2], $0x1A000, $0x38;
	[tilespmem:$0x1AD00] =	vst v63  }
0x59: {  	_ =	swait.ge [sflag:s3], $0x1A000  }
0x5a: {  	[sflag:s3] =	ssyncset.done $0x0  }
0x5b: {  	[sflag:s3] =	ssyncadd.s32 $0xFFFE6000  }
0x5c: {  	[tilespmem:s2], [sflag:$0x2] =	stream.linear.gather [hbm4b:s13+s2], $0xD00, $0x38;
	[tilespmem:$0x1AD00] =	vst v63  }
0x5d: {  	_ =	swait.ge [sflag:s3], $0xD00  }
0x5e: {  	[sflag:s3] =	ssyncset.done $0x0  }
0x5f: {  	[sflag:s3] =	ssyncadd.s32 $0xFFFFF300  }
0x60: {  	[tilespmem:s6], [sflag:$0x1] =	stream.indirect.gather [hbm4b:s5+s6], $0x20, s2, s6, $0xb8;
	[tilespmem:$0x1AD00] =	vst v63  }
0x61: {  	_ =	swait.ge [sflag:s7], $0x1A000  }
.Ltmp1:
0x62: {  	[sflag:s7] =	ssyncset.done $0x0;
	(pc) =	sbr.rel @p0 .LBB2_1-.Ltmp1, $4  }
0x63: {  	[sflag:s7] =	ssyncadd.s32 $0xFFFE6000  }
0x64: {  	[hbm4b:s14+s2] =	stream.linear.scatter [tilespmem:s6], [sflag:$0x2], $0x1A000, $0x38;
	[tilespmem:$0x1AD00] =	vst v63  }
0x65: {  	_ =	swait.ge [sflag:s3], $0x1A000  }
0x66: {  	[sflag:s3] =	ssyncset.done $0x0  }
.LBB2_2:
0x67: {  	[sflag:s3] =	ssyncadd.s32 $0xFFFE6000  }
0x68: {  	_ =	sfence.sel $0x180000  }
0x69: {  	[bflag:$0x0] =	sbarrier.arrive $0xFFFF  }
0x6a: {  	p0 =	sne.s32 s0, $0x0;
	_ =	strace $0x90000047  }
0x6b: {  	s0 =	sadd.s32 @!p0 $0x100000, s1;
	[bflag:$0x2] =	sbarrier.arrive $0xFFFF  }
0x6c: {  	[sflag:s0] =	ssyncadd.tile.s32 @!p0 $0x1;
	_ =	shalt  }
.Lfunc_end2:
_tile_overlayer_lowered:
.L_overlay_start_2:
0x6d: {  	(tag) =	ssettag $0x2  }
0x6e: {  	s0 =	rddreg [dreg:$0x0];
	s2 =	stileid.u32  }
0x6f: {  	s1 =	rddreg [dreg:$0x1];
	p0 =	sne.s32 s2, $0x0  }
0x70: {  	s3 =	rddreg [dreg:$0x2];
	[bflag:$0x3] =	sbarrier.arrive $0xFFFF;
	s2 =	simm.s32 @!p0 $0x1C02  }
0x71: {  	[timem:s3], [sflag:s2] =	dma.local @!p0 [hbm:s0], s1  }
0x72: {  	s0 =	simm.s32 @!p0 $0x2  }
0x73: {  	_ =	swait.ge @!p0 [sflag:s0], s1  }
0x74: {  	s1 =	ssub.s32 @!p0 $0x0, s1;
	[sflag:s0] =	ssyncset.done @!p0 $0x0  }
0x75: {  	[sflag:s0] =	ssyncadd.s32 @!p0 s1  }
0x76: {  	[bflag:$0x3] =	sbarrier.arrive $0xFFFF  }
0x77: {  	_ =	shalt  }

</sc_bundles>
